<compile_context>
chip_gen: v7x
topology: tpu7x:2x2x1
jax: 0.10.2.dev20260603
libtpu: 0.0.44.dev20260713+nightly
codegen_flags: <defaults>
</compile_context>

<pallas_src>
import jax
import jax.numpy as jnp
from jax.experimental import pallas as pl
from jax.experimental.pallas import tpu as pltpu
from jax.experimental.pallas import tpu_sc as plsc

_CHUNKS_PER_CORE = 4


def kernel(x, scale_p, scale_n):
    del scale_p, scale_n
    m, n = x.shape
    mesh = plsc.ScalarSubcoreMesh(axis_name="core", num_cores=2)
    rows = m // (2 * _CHUNKS_PER_CORE)

    @pl.kernel(
        out_type=jax.ShapeDtypeStruct((m, n), x.dtype),
        mesh=mesh,
        scratch_types=[pltpu.SemaphoreType.DMA((_CHUNKS_PER_CORE,))],
    )
    def sc_copy(x_ref, o_ref, sems):
        core = jax.lax.axis_index("core")
        base = core * (m // 2)

        def copy(c):
            start = base + c * rows
            return pltpu.async_copy(
                x_ref.at[pl.ds(start, rows), :],
                o_ref.at[pl.ds(start, rows), :],
                sems.at[c],
            )

        for c in range(_CHUNKS_PER_CORE):
            copy(c).start()
        for c in range(_CHUNKS_PER_CORE):
            copy(c).wait()

    return sc_copy(x)

# --- scband reference (transcript-rebuilt; emitter-appended) ---
"""Pipeline reference for scband-test-neuron-57372173140392 (READ-ONLY COPY).

The authoritative reference and input builder live on the scoring server;
editing this copy changes nothing except your own understanding.
"""

import jax, jax.numpy as jnp
import numpy as np

PERCENT = 0.99
NUM = 0  # module's running-average counter starts at 0


def setup_inputs(seed: int = 0) -> dict:
    key = jax.random.key(seed)
    x = jax.random.normal(key, (128, 32768), dtype=jnp.float32)
    scale_p = jnp.zeros((1,), dtype=jnp.float32)
    scale_n = jnp.zeros((1,), dtype=jnp.float32)
    return {"x": x, "scale_p": scale_p, "scale_n": scale_n}


def reference(x, scale_p, scale_n):
    # Faithful translation of TestNeuron.forward.
    # torch.kthvalue(x2, k) returns the k-th smallest element (1-indexed),
    # which equals sorted(x2)[k-1].
    x2 = x.reshape(-1)
    n = x2.shape[0]
    s = jnp.sort(x2)
    k_p = int(PERCENT * n)
    threshold_p = s[k_p - 1]
    new_scale_p = (scale_p * NUM + threshold_p) / (NUM + 1)
    k_n = int((1.0 - PERCENT) * n)
    threshold_n = -s[k_n - 1]
    new_scale_n = (scale_n * NUM + threshold_n) / (NUM + 1)
    # The torch module updates self.scale_p / self.scale_n as a side effect
    # (detached via .item()) and returns [x]. The forward output is just x.
    # new_scale_p / new_scale_n are computed to keep the kthvalue work faithful.
    del new_scale_p, new_scale_n
    return x

if __name__ == "__main__":
    import jax
    _d = setup_inputs()
    print(jax.jit(kernel)(*tuple(_d.values())))

</pallas_src>

<mosaic_0001>
#map = affine_map<(d0) -> (0, 0)>
module attributes {stable_mosaic.version = 14 : i64} {
  func.func @sc_copy(%arg0: i32, %arg1: memref<128x32768xf32, #tpu.memory_space<hbm>>, %arg2: memref<128x32768xf32, #tpu.memory_space<hbm>>, %arg3: memref<4x!tpu.dma_semaphore, #tpu.memory_space<semaphore_mem>>) attributes {dimension_semantics = [#tpu.dimension_semantics<core_parallel>], iteration_bounds = array<i64: 2>, scalar_prefetch = 0 : i64, scratch_operands = 1 : i64, tpu.core_type = #tpu.core_type<sc_scalar_subcore>, window_params = [{transform_indices = #map}, {transform_indices = #map}]} {
    %mul3A = arith.constant 64 : i32
    %mul3A_0 = arith.muli %arg0, %mul3A : i32
    %add3A = arith.constant 0 : i32
    %add3A_1 = arith.addi %mul3A_0, %add3A : i32
    %dma_start3A = arith.constant 0 : i32
    %dma_start3A_2 = tpu.memref_slice %arg3[%dma_start3A] : memref<4x!tpu.dma_semaphore, #tpu.memory_space<semaphore_mem>> -> memref<1x!tpu.dma_semaphore, #tpu.memory_space<semaphore_mem>>
    %dma_start3A_3 = tpu.memref_squeeze %dma_start3A_2 : memref<1x!tpu.dma_semaphore, #tpu.memory_space<semaphore_mem>> -> memref<!tpu.dma_semaphore, #tpu.memory_space<semaphore_mem>>
    %dma_start3A_4 = arith.constant 0 : i32
    %dma_start3A_5 = tpu.memref_slice %arg2[%add3A_1, %dma_start3A_4] : memref<128x32768xf32, #tpu.memory_space<hbm>> -> memref<16x32768xf32, #tpu.memory_space<hbm>>
    %dma_start3A_6 = arith.constant 0 : i32
    %dma_start3A_7 = tpu.memref_slice %arg1[%add3A_1, %dma_start3A_6] : memref<128x32768xf32, #tpu.memory_space<hbm>> -> memref<16x32768xf32, #tpu.memory_space<hbm>>
    tpu.enqueue_dma source(%dma_start3A_7 : memref<16x32768xf32, #tpu.memory_space<hbm>>) target(%dma_start3A_5 : memref<16x32768xf32, #tpu.memory_space<hbm>>) target_semaphore(%dma_start3A_3 : memref<!tpu.dma_semaphore, #tpu.memory_space<semaphore_mem>>)
    %dma_start3A_8 = arith.constant 0 : i32
    %dma_start3A_9 = tpu.memref_slice %arg3[%dma_start3A_8] : memref<4x!tpu.dma_semaphore, #tpu.memory_space<semaphore_mem>> -> memref<1x!tpu.dma_semaphore, #tpu.memory_space<semaphore_mem>>
    %dma_start3A_10 = tpu.memref_squeeze %dma_start3A_9 : memref<1x!tpu.dma_semaphore, #tpu.memory_space<semaphore_mem>> -> memref<!tpu.dma_semaphore, #tpu.memory_space<semaphore_mem>>
    %dma_start3A_11 = arith.constant 0 : i32
    %dma_start3A_12 = tpu.memref_slice %arg2[%add3A_1, %dma_start3A_11] : memref<128x32768xf32, #tpu.memory_space<hbm>> -> memref<16x32768xf32, #tpu.memory_space<hbm>>
    %dma_start3A_13 = arith.constant 0 : i32
    %dma_start3A_14 = tpu.memref_slice %arg1[%add3A_1, %dma_start3A_13] : memref<128x32768xf32, #tpu.memory_space<hbm>> -> memref<16x32768xf32, #tpu.memory_space<hbm>>
    tpu.enqueue_dma source(%dma_start3A_14 : memref<16x32768xf32, #tpu.memory_space<hbm>>) target(%dma_start3A_12 : memref<16x32768xf32, #tpu.memory_space<hbm>>) target_semaphore(%dma_start3A_10 : memref<!tpu.dma_semaphore, #tpu.memory_space<semaphore_mem>>)
    %add3A_15 = arith.constant 16 : i32
    %add3A_16 = arith.addi %mul3A_0, %add3A_15 : i32
    %dma_start3A_17 = arith.constant 1 : i32
    %dma_start3A_18 = tpu.memref_slice %arg3[%dma_start3A_17] : memref<4x!tpu.dma_semaphore, #tpu.memory_space<semaphore_mem>> -> memref<1x!tpu.dma_semaphore, #tpu.memory_space<semaphore_mem>>
    %dma_start3A_19 = tpu.memref_squeeze %dma_start3A_18 : memref<1x!tpu.dma_semaphore, #tpu.memory_space<semaphore_mem>> -> memref<!tpu.dma_semaphore, #tpu.memory_space<semaphore_mem>>
    %dma_start3A_20 = arith.constant 0 : i32
    %dma_start3A_21 = tpu.memref_slice %arg2[%add3A_16, %dma_start3A_20] : memref<128x32768xf32, #tpu.memory_space<hbm>> -> memref<16x32768xf32, #tpu.memory_space<hbm>>
    %dma_start3A_22 = arith.constant 0 : i32
    %dma_start3A_23 = tpu.memref_slice %arg1[%add3A_16, %dma_start3A_22] : memref<128x32768xf32, #tpu.memory_space<hbm>> -> memref<16x32768xf32, #tpu.memory_space<hbm>>
    tpu.enqueue_dma source(%dma_start3A_23 : memref<16x32768xf32, #tpu.memory_space<hbm>>) target(%dma_start3A_21 : memref<16x32768xf32, #tpu.memory_space<hbm>>) target_semaphore(%dma_start3A_19 : memref<!tpu.dma_semaphore, #tpu.memory_space<semaphore_mem>>)
    %dma_start3A_24 = arith.constant 1 : i32
    %dma_start3A_25 = tpu.memref_slice %arg3[%dma_start3A_24] : memref<4x!tpu.dma_semaphore, #tpu.memory_space<semaphore_mem>> -> memref<1x!tpu.dma_semaphore, #tpu.memory_space<semaphore_mem>>
    %dma_start3A_26 = tpu.memref_squeeze %dma_start3A_25 : memref<1x!tpu.dma_semaphore, #tpu.memory_space<semaphore_mem>> -> memref<!tpu.dma_semaphore, #tpu.memory_space<semaphore_mem>>
    %dma_start3A_27 = arith.constant 0 : i32
    %dma_start3A_28 = tpu.memref_slice %arg2[%add3A_16, %dma_start3A_27] : memref<128x32768xf32, #tpu.memory_space<hbm>> -> memref<16x32768xf32, #tpu.memory_space<hbm>>
    %dma_start3A_29 = arith.constant 0 : i32
    %dma_start3A_30 = tpu.memref_slice %arg1[%add3A_16, %dma_start3A_29] : memref<128x32768xf32, #tpu.memory_space<hbm>> -> memref<16x32768xf32, #tpu.memory_space<hbm>>
    tpu.enqueue_dma source(%dma_start3A_30 : memref<16x32768xf32, #tpu.memory_space<hbm>>) target(%dma_start3A_28 : memref<16x32768xf32, #tpu.memory_space<hbm>>) target_semaphore(%dma_start3A_26 : memref<!tpu.dma_semaphore, #tpu.memory_space<semaphore_mem>>)
    %add3A_31 = arith.constant 32 : i32
    %add3A_32 = arith.addi %mul3A_0, %add3A_31 : i32
    %dma_start3A_33 = arith.constant 2 : i32
    %dma_start3A_34 = tpu.memref_slice %arg3[%dma_start3A_33] : memref<4x!tpu.dma_semaphore, #tpu.memory_space<semaphore_mem>> -> memref<1x!tpu.dma_semaphore, #tpu.memory_space<semaphore_mem>>
    %dma_start3A_35 = tpu.memref_squeeze %dma_start3A_34 : memref<1x!tpu.dma_semaphore, #tpu.memory_space<semaphore_mem>> -> memref<!tpu.dma_semaphore, #tpu.memory_space<semaphore_mem>>
    %dma_start3A_36 = arith.constant 0 : i32
    %dma_start3A_37 = tpu.memref_slice %arg2[%add3A_32, %dma_start3A_36] : memref<128x32768xf32, #tpu.memory_space<hbm>> -> memref<16x32768xf32, #tpu.memory_space<hbm>>
    %dma_start3A_38 = arith.constant 0 : i32
    %dma_start3A_39 = tpu.memref_slice %arg1[%add3A_32, %dma_start3A_38] : memref<128x32768xf32, #tpu.memory_space<hbm>> -> memref<16x32768xf32, #tpu.memory_space<hbm>>
    tpu.enqueue_dma source(%dma_start3A_39 : memref<16x32768xf32, #tpu.memory_space<hbm>>) target(%dma_start3A_37 : memref<16x32768xf32, #tpu.memory_space<hbm>>) target_semaphore(%dma_start3A_35 : memref<!tpu.dma_semaphore, #tpu.memory_space<semaphore_mem>>)
    %dma_start3A_40 = arith.constant 2 : i32
    %dma_start3A_41 = tpu.memref_slice %arg3[%dma_start3A_40] : memref<4x!tpu.dma_semaphore, #tpu.memory_space<semaphore_mem>> -> memref<1x!tpu.dma_semaphore, #tpu.memory_space<semaphore_mem>>
    %dma_start3A_42 = tpu.memref_squeeze %dma_start3A_41 : memref<1x!tpu.dma_semaphore, #tpu.memory_space<semaphore_mem>> -> memref<!tpu.dma_semaphore, #tpu.memory_space<semaphore_mem>>
    %dma_start3A_43 = arith.constant 0 : i32
    %dma_start3A_44 = tpu.memref_slice %arg2[%add3A_32, %dma_start3A_43] : memref<128x32768xf32, #tpu.memory_space<hbm>> -> memref<16x32768xf32, #tpu.memory_space<hbm>>
    %dma_start3A_45 = arith.constant 0 : i32
    %dma_start3A_46 = tpu.memref_slice %arg1[%add3A_32, %dma_start3A_45] : memref<128x32768xf32, #tpu.memory_space<hbm>> -> memref<16x32768xf32, #tpu.memory_space<hbm>>
    tpu.enqueue_dma source(%dma_start3A_46 : memref<16x32768xf32, #tpu.memory_space<hbm>>) target(%dma_start3A_44 : memref<16x32768xf32, #tpu.memory_space<hbm>>) target_semaphore(%dma_start3A_42 : memref<!tpu.dma_semaphore, #tpu.memory_space<semaphore_mem>>)
    %add3A_47 = arith.constant 48 : i32
    %add3A_48 = arith.addi %mul3A_0, %add3A_47 : i32
    %dma_start3A_49 = arith.constant 3 : i32
    %dma_start3A_50 = tpu.memref_slice %arg3[%dma_start3A_49] : memref<4x!tpu.dma_semaphore, #tpu.memory_space<semaphore_mem>> -> memref<1x!tpu.dma_semaphore, #tpu.memory_space<semaphore_mem>>
    %dma_start3A_51 = tpu.memref_squeeze %dma_start3A_50 : memref<1x!tpu.dma_semaphore, #tpu.memory_space<semaphore_mem>> -> memref<!tpu.dma_semaphore, #tpu.memory_space<semaphore_mem>>
    %dma_start3A_52 = arith.constant 0 : i32
    %dma_start3A_53 = tpu.memref_slice %arg2[%add3A_48, %dma_start3A_52] : memref<128x32768xf32, #tpu.memory_space<hbm>> -> memref<16x32768xf32, #tpu.memory_space<hbm>>
    %dma_start3A_54 = arith.constant 0 : i32
    %dma_start3A_55 = tpu.memref_slice %arg1[%add3A_48, %dma_start3A_54] : memref<128x32768xf32, #tpu.memory_space<hbm>> -> memref<16x32768xf32, #tpu.memory_space<hbm>>
    tpu.enqueue_dma source(%dma_start3A_55 : memref<16x32768xf32, #tpu.memory_space<hbm>>) target(%dma_start3A_53 : memref<16x32768xf32, #tpu.memory_space<hbm>>) target_semaphore(%dma_start3A_51 : memref<!tpu.dma_semaphore, #tpu.memory_space<semaphore_mem>>)
    %dma_start3A_56 = arith.constant 3 : i32
    %dma_start3A_57 = tpu.memref_slice %arg3[%dma_start3A_56] : memref<4x!tpu.dma_semaphore, #tpu.memory_space<semaphore_mem>> -> memref<1x!tpu.dma_semaphore, #tpu.memory_space<semaphore_mem>>
    %dma_start3A_58 = tpu.memref_squeeze %dma_start3A_57 : memref<1x!tpu.dma_semaphore, #tpu.memory_space<semaphore_mem>> -> memref<!tpu.dma_semaphore, #tpu.memory_space<semaphore_mem>>
    %dma_start3A_59 = arith.constant 0 : i32
    %dma_start3A_60 = tpu.memref_slice %arg2[%add3A_48, %dma_start3A_59] : memref<128x32768xf32, #tpu.memory_space<hbm>> -> memref<16x32768xf32, #tpu.memory_space<hbm>>
    %dma_start3A_61 = arith.constant 0 : i32
    %dma_start3A_62 = tpu.memref_slice %arg1[%add3A_48, %dma_start3A_61] : memref<128x32768xf32, #tpu.memory_space<hbm>> -> memref<16x32768xf32, #tpu.memory_space<hbm>>
    tpu.enqueue_dma source(%dma_start3A_62 : memref<16x32768xf32, #tpu.memory_space<hbm>>) target(%dma_start3A_60 : memref<16x32768xf32, #tpu.memory_space<hbm>>) target_semaphore(%dma_start3A_58 : memref<!tpu.dma_semaphore, #tpu.memory_space<semaphore_mem>>)
    %add3A_63 = arith.constant 0 : i32
    %add3A_64 = arith.addi %mul3A_0, %add3A_63 : i32
    %dma_start3A_65 = arith.constant 0 : i32
    %dma_start3A_66 = tpu.memref_slice %arg3[%dma_start3A_65] : memref<4x!tpu.dma_semaphore, #tpu.memory_space<semaphore_mem>> -> memref<1x!tpu.dma_semaphore, #tpu.memory_space<semaphore_mem>>
    %dma_start3A_67 = tpu.memref_squeeze %dma_start3A_66 : memref<1x!tpu.dma_semaphore, #tpu.memory_space<semaphore_mem>> -> memref<!tpu.dma_semaphore, #tpu.memory_space<semaphore_mem>>
    %dma_start3A_68 = arith.constant 0 : i32
    %dma_start3A_69 = tpu.memref_slice %arg2[%add3A_64, %dma_start3A_68] : memref<128x32768xf32, #tpu.memory_space<hbm>> -> memref<16x32768xf32, #tpu.memory_space<hbm>>
    %dma_start3A_70 = arith.constant 0 : i32
    %dma_start3A_71 = tpu.memref_slice %arg1[%add3A_64, %dma_start3A_70] : memref<128x32768xf32, #tpu.memory_space<hbm>> -> memref<16x32768xf32, #tpu.memory_space<hbm>>
    tpu.enqueue_dma source(%dma_start3A_71 : memref<16x32768xf32, #tpu.memory_space<hbm>>) target(%dma_start3A_69 : memref<16x32768xf32, #tpu.memory_space<hbm>>) target_semaphore(%dma_start3A_67 : memref<!tpu.dma_semaphore, #tpu.memory_space<semaphore_mem>>)
    %dma_wait3A = arith.constant 0 : i32
    %dma_wait3A_72 = tpu.memref_slice %arg3[%dma_wait3A] : memref<4x!tpu.dma_semaphore, #tpu.memory_space<semaphore_mem>> -> memref<1x!tpu.dma_semaphore, #tpu.memory_space<semaphore_mem>>
    %dma_wait3A_73 = tpu.memref_squeeze %dma_wait3A_72 : memref<1x!tpu.dma_semaphore, #tpu.memory_space<semaphore_mem>> -> memref<!tpu.dma_semaphore, #tpu.memory_space<semaphore_mem>>
    %dma_wait3A_74 = arith.constant 0 : i32
    %dma_wait3A_75 = tpu.memref_slice %arg2[%add3A_64, %dma_wait3A_74] : memref<128x32768xf32, #tpu.memory_space<hbm>> -> memref<16x32768xf32, #tpu.memory_space<hbm>>
    %dma_wait3A_76 = arith.constant 0 : i32
    %dma_wait3A_77 = tpu.memref_slice %arg1[%add3A_64, %dma_wait3A_76] : memref<128x32768xf32, #tpu.memory_space<hbm>> -> memref<16x32768xf32, #tpu.memory_space<hbm>>
    tpu.wait_dma2 semaphore(%dma_wait3A_73 : memref<!tpu.dma_semaphore, #tpu.memory_space<semaphore_mem>>) src(%dma_wait3A_77 : memref<16x32768xf32, #tpu.memory_space<hbm>>) dst(%dma_wait3A_75 : memref<16x32768xf32, #tpu.memory_space<hbm>>)
    %add3A_78 = arith.constant 16 : i32
    %add3A_79 = arith.addi %mul3A_0, %add3A_78 : i32
    %dma_start3A_80 = arith.constant 1 : i32
    %dma_start3A_81 = tpu.memref_slice %arg3[%dma_start3A_80] : memref<4x!tpu.dma_semaphore, #tpu.memory_space<semaphore_mem>> -> memref<1x!tpu.dma_semaphore, #tpu.memory_space<semaphore_mem>>
    %dma_start3A_82 = tpu.memref_squeeze %dma_start3A_81 : memref<1x!tpu.dma_semaphore, #tpu.memory_space<semaphore_mem>> -> memref<!tpu.dma_semaphore, #tpu.memory_space<semaphore_mem>>
    %dma_start3A_83 = arith.constant 0 : i32
    %dma_start3A_84 = tpu.memref_slice %arg2[%add3A_79, %dma_start3A_83] : memref<128x32768xf32, #tpu.memory_space<hbm>> -> memref<16x32768xf32, #tpu.memory_space<hbm>>
    %dma_start3A_85 = arith.constant 0 : i32
    %dma_start3A_86 = tpu.memref_slice %arg1[%add3A_79, %dma_start3A_85] : memref<128x32768xf32, #tpu.memory_space<hbm>> -> memref<16x32768xf32, #tpu.memory_space<hbm>>
    tpu.enqueue_dma source(%dma_start3A_86 : memref<16x32768xf32, #tpu.memory_space<hbm>>) target(%dma_start3A_84 : memref<16x32768xf32, #tpu.memory_space<hbm>>) target_semaphore(%dma_start3A_82 : memref<!tpu.dma_semaphore, #tpu.memory_space<semaphore_mem>>)
    %dma_wait3A_87 = arith.constant 1 : i32
    %dma_wait3A_88 = tpu.memref_slice %arg3[%dma_wait3A_87] : memref<4x!tpu.dma_semaphore, #tpu.memory_space<semaphore_mem>> -> memref<1x!tpu.dma_semaphore, #tpu.memory_space<semaphore_mem>>
    %dma_wait3A_89 = tpu.memref_squeeze %dma_wait3A_88 : memref<1x!tpu.dma_semaphore, #tpu.memory_space<semaphore_mem>> -> memref<!tpu.dma_semaphore, #tpu.memory_space<semaphore_mem>>
    %dma_wait3A_90 = arith.constant 0 : i32
    %dma_wait3A_91 = tpu.memref_slice %arg2[%add3A_79, %dma_wait3A_90] : memref<128x32768xf32, #tpu.memory_space<hbm>> -> memref<16x32768xf32, #tpu.memory_space<hbm>>
    %dma_wait3A_92 = arith.constant 0 : i32
    %dma_wait3A_93 = tpu.memref_slice %arg1[%add3A_79, %dma_wait3A_92] : memref<128x32768xf32, #tpu.memory_space<hbm>> -> memref<16x32768xf32, #tpu.memory_space<hbm>>
    tpu.wait_dma2 semaphore(%dma_wait3A_89 : memref<!tpu.dma_semaphore, #tpu.memory_space<semaphore_mem>>) src(%dma_wait3A_93 : memref<16x32768xf32, #tpu.memory_space<hbm>>) dst(%dma_wait3A_91 : memref<16x32768xf32, #tpu.memory_space<hbm>>)
    %add3A_94 = arith.constant 32 : i32
    %add3A_95 = arith.addi %mul3A_0, %add3A_94 : i32
    %dma_start3A_96 = arith.constant 2 : i32
    %dma_start3A_97 = tpu.memref_slice %arg3[%dma_start3A_96] : memref<4x!tpu.dma_semaphore, #tpu.memory_space<semaphore_mem>> -> memref<1x!tpu.dma_semaphore, #tpu.memory_space<semaphore_mem>>
    %dma_start3A_98 = tpu.memref_squeeze %dma_start3A_97 : memref<1x!tpu.dma_semaphore, #tpu.memory_space<semaphore_mem>> -> memref<!tpu.dma_semaphore, #tpu.memory_space<semaphore_mem>>
    %dma_start3A_99 = arith.constant 0 : i32
    %dma_start3A_100 = tpu.memref_slice %arg2[%add3A_95, %dma_start3A_99] : memref<128x32768xf32, #tpu.memory_space<hbm>> -> memref<16x32768xf32, #tpu.memory_space<hbm>>
    %dma_start3A_101 = arith.constant 0 : i32
    %dma_start3A_102 = tpu.memref_slice %arg1[%add3A_95, %dma_start3A_101] : memref<128x32768xf32, #tpu.memory_space<hbm>> -> memref<16x32768xf32, #tpu.memory_space<hbm>>
    tpu.enqueue_dma source(%dma_start3A_102 : memref<16x32768xf32, #tpu.memory_space<hbm>>) target(%dma_start3A_100 : memref<16x32768xf32, #tpu.memory_space<hbm>>) target_semaphore(%dma_start3A_98 : memref<!tpu.dma_semaphore, #tpu.memory_space<semaphore_mem>>)
    %dma_wait3A_103 = arith.constant 2 : i32
    %dma_wait3A_104 = tpu.memref_slice %arg3[%dma_wait3A_103] : memref<4x!tpu.dma_semaphore, #tpu.memory_space<semaphore_mem>> -> memref<1x!tpu.dma_semaphore, #tpu.memory_space<semaphore_mem>>
    %dma_wait3A_105 = tpu.memref_squeeze %dma_wait3A_104 : memref<1x!tpu.dma_semaphore, #tpu.memory_space<semaphore_mem>> -> memref<!tpu.dma_semaphore, #tpu.memory_space<semaphore_mem>>
    %dma_wait3A_106 = arith.constant 0 : i32
    %dma_wait3A_107 = tpu.memref_slice %arg2[%add3A_95, %dma_wait3A_106] : memref<128x32768xf32, #tpu.memory_space<hbm>> -> memref<16x32768xf32, #tpu.memory_space<hbm>>
    %dma_wait3A_108 = arith.constant 0 : i32
    %dma_wait3A_109 = tpu.memref_slice %arg1[%add3A_95, %dma_wait3A_108] : memref<128x32768xf32, #tpu.memory_space<hbm>> -> memref<16x32768xf32, #tpu.memory_space<hbm>>
    tpu.wait_dma2 semaphore(%dma_wait3A_105 : memref<!tpu.dma_semaphore, #tpu.memory_space<semaphore_mem>>) src(%dma_wait3A_109 : memref<16x32768xf32, #tpu.memory_space<hbm>>) dst(%dma_wait3A_107 : memref<16x32768xf32, #tpu.memory_space<hbm>>)
    %add3A_110 = arith.constant 48 : i32
    %add3A_111 = arith.addi %mul3A_0, %add3A_110 : i32
    %dma_start3A_112 = arith.constant 3 : i32
    %dma_start3A_113 = tpu.memref_slice %arg3[%dma_start3A_112] : memref<4x!tpu.dma_semaphore, #tpu.memory_space<semaphore_mem>> -> memref<1x!tpu.dma_semaphore, #tpu.memory_space<semaphore_mem>>
    %dma_start3A_114 = tpu.memref_squeeze %dma_start3A_113 : memref<1x!tpu.dma_semaphore, #tpu.memory_space<semaphore_mem>> -> memref<!tpu.dma_semaphore, #tpu.memory_space<semaphore_mem>>
    %dma_start3A_115 = arith.constant 0 : i32
    %dma_start3A_116 = tpu.memref_slice %arg2[%add3A_111, %dma_start3A_115] : memref<128x32768xf32, #tpu.memory_space<hbm>> -> memref<16x32768xf32, #tpu.memory_space<hbm>>
    %dma_start3A_117 = arith.constant 0 : i32
    %dma_start3A_118 = tpu.memref_slice %arg1[%add3A_111, %dma_start3A_117] : memref<128x32768xf32, #tpu.memory_space<hbm>> -> memref<16x32768xf32, #tpu.memory_space<hbm>>
    tpu.enqueue_dma source(%dma_start3A_118 : memref<16x32768xf32, #tpu.memory_space<hbm>>) target(%dma_start3A_116 : memref<16x32768xf32, #tpu.memory_space<hbm>>) target_semaphore(%dma_start3A_114 : memref<!tpu.dma_semaphore, #tpu.memory_space<semaphore_mem>>)
    %dma_wait3A_119 = arith.constant 3 : i32
    %dma_wait3A_120 = tpu.memref_slice %arg3[%dma_wait3A_119] : memref<4x!tpu.dma_semaphore, #tpu.memory_space<semaphore_mem>> -> memref<1x!tpu.dma_semaphore, #tpu.memory_space<semaphore_mem>>
    %dma_wait3A_121 = tpu.memref_squeeze %dma_wait3A_120 : memref<1x!tpu.dma_semaphore, #tpu.memory_space<semaphore_mem>> -> memref<!tpu.dma_semaphore, #tpu.memory_space<semaphore_mem>>
    %dma_wait3A_122 = arith.constant 0 : i32
    %dma_wait3A_123 = tpu.memref_slice %arg2[%add3A_111, %dma_wait3A_122] : memref<128x32768xf32, #tpu.memory_space<hbm>> -> memref<16x32768xf32, #tpu.memory_space<hbm>>
    %dma_wait3A_124 = arith.constant 0 : i32
    %dma_wait3A_125 = tpu.memref_slice %arg1[%add3A_111, %dma_wait3A_124] : memref<128x32768xf32, #tpu.memory_space<hbm>> -> memref<16x32768xf32, #tpu.memory_space<hbm>>
    tpu.wait_dma2 semaphore(%dma_wait3A_121 : memref<!tpu.dma_semaphore, #tpu.memory_space<semaphore_mem>>) src(%dma_wait3A_125 : memref<16x32768xf32, #tpu.memory_space<hbm>>) dst(%dma_wait3A_123 : memref<16x32768xf32, #tpu.memory_space<hbm>>)
    return
  }
}

</mosaic_0001>

<sc_bundles>
// kernel: kernel.3.cloned.1.call-start
scs
__scs_entry_jumppad:
0x0: {  	(pc) =	sbr.rel $0x88, $3  }
0x1: {  	(tag) =	ssettag $0x0;
	lr =	simm.s32 $0x1  }
0x2: {  	[smem:$0x3FA0] =	sst lr;
	_ =	strace $0xD0000000  }
0x3: {  	_ = 	snop  }
0x4: {  	_ = 	snop  }
0x5: {  	_ = 	snop  }
0x6: {  	_ = 	snop  }
0x7: {  	_ = 	snop  }
__scs_overlays_trampoline_lowered:
0x8: {  	[smem:$0x3FAF] =	sst s0  }
0x9: {  	[smem:$0x3FB0] =	sst s1  }
0xa: {  	[smem:$0x3FB1] =	sst s2  }
0xb: {  	[smem:$0x3FB2] =	sst s3  }
0xc: {  	[smem:$0x3FB3] =	sst s4  }
0xd: {  	[smem:$0x3FB4] =	sst s5  }
0xe: {  	[smem:$0x3FB5] =	sst s6  }
0xf: {  	[smem:$0x3FB6] =	sst s7  }
0x10: {  	[smem:$0x3FB7] =	sst s8  }
0x11: {  	[smem:$0x3FB8] =	sst s9;
	s0 =	simm.s32 @!p0 $0x0  }
0x12: {  	s1 =	sld [smem:$0x3F9E];
	s0 =	simm.s32 @p0 $0x1  }
0x13: {  	[smem:$0x3FB9] =	sst s0;
	s0 =	simm.s32 @!p1 $0x0  }
0x14: {  	s2 =	sld [smem:$0x3F9D];
	s0 =	simm.s32 @p1 $0x1  }
0x15: {  	[smem:$0x3FBA] =	sst s0;
	s0 =	simm.s32 @!p2 $0x0  }
0x16: {  	s3 =	sld [smem:$0x3FDB];
	s0 =	simm.s32 @p2 $0x1  }
0x17: {  	s4 =	simm.s32 $0x1BF5;
	[smem:$0x3FBC] =	sst s0  }
0x18: {  	s0 =	sld [smem:$0x3F9F];
	_ =	swait.ge [sflag:s4], $0x0  }
0x19: {  	s7 =	sld [smem:$0x3FA0]  }
0x1a: {  	s8 =	sadd.s32 $0xFFFFE003, lr  }
0x1b: {  	s9 =	sadd.s32 $0xFFFFFEF7, lr;
	s5 =	simm.s32 $0xFFFFFFFF;
	p2 =	slt.u32 s8, $0xFFFFF086  }
0x1c: {  	p1 =	slt.u32 s9, $0xF7A;
	s5 =	simm.s32 @!p2 $0x0  }
0x1d: {  	s5 =	simm.s32 @p1 $0x1;
	p0 =	seq.s32 s7, s2  }
0x1e: {  	s7 =	smul.u32 @!p0 $0xF7A, s2;
	p2 =	seq.s32 @!p0 s5, $0x0  }
0x1f: {  	s9 =	smul.u32 $0xF7A, s1;
	s8 =	simm.s32 @!p0 $0x1BF5;
	p2 =	por !p2, p0  }
0x20: {  	[sflag:s8] =	ssyncset.s32 @!p0 $0xFFFFF086;
	s6 =	sadd.s32 @!p0 s3, s7;
	s7 =	simm.s32 @!p0 $0x108  }
0x21: {  	s3 =	sadd.s32 s3, s9;
	s6 =	sadd.s32 @!p0 $0x88, s6;
	s7 =	simm.s32 @p2 $0x1082  }
0x22: {  	[simem:s7], [sflag:s8] =	dma.local @!p0 [hbm:s6], $0xF7A  }
0x23: {  	s9 =	sor.u32 $0xD0000000, s2;
	s6 =	simm.s32 $0x108;
	_ =	swait.ge @!p0 [sflag:s8], $0x0  }
0x24: {  	s3 =	sadd.s32 $0x88, s3;
	s6 =	simm.s32 @!p1 $0x1082;
	[sflag:s4] =	ssyncset.s32 $0xFFFFF086  }
0x25: {  	[simem:s6], [sflag:s4] =	dma.local [hbm:s3], $0xF7A  }
0x26: {  	[smem:$0x3FA0] =	sst s1;
	(tag) =	ssettag s2;
	_ =	strace s9  }
0x27: {  	s1 =	sld [smem:$0x3FB0]  }
0x28: {  	s2 =	sld [smem:$0x3FB1]  }
0x29: {  	s4 =	sld [smem:$0x3FB3]  }
0x2a: {  	p0 =	seq.s32 s5, $0x0;
	s5 =	sld [smem:$0x3FB4]  }
0x2b: {  	s6 =	sld [smem:$0x3FB5]  }
0x2c: {  	s7 =	sld [smem:$0x3FB6]  }
0x2d: {  	s3 =	simm.s32 $0x108;
	s8 =	sld [smem:$0x3FB7]  }
0x2e: {  	s3 =	simm.s32 @!p0 $0x1082;
	s9 =	sld [smem:$0x3FB8]  }
0x2f: {  	lr =	sadd.s32 s0, s3;
	s0 =	sld [smem:$0x3FAF]  }
0x30: {  	s3 =	sld [smem:$0x3FB2]  }
0x31: {  	[smem:$0x3FBB] =	sst s10  }
0x32: {  	s10 =	sld [smem:$0x3FB9];
	_ =	sdelay $0x3  }
0x33: {  	p0 =	seq.s32 s10, $0x1;
	s10 =	sld [smem:$0x3FBB];
	_ =	sdelay $0x3  }
0x34: {  	[smem:$0x3FBB] =	sst s10  }
0x35: {  	s10 =	sld [smem:$0x3FBA];
	_ =	sdelay $0x3  }
0x36: {  	p1 =	seq.s32 s10, $0x1;
	s10 =	sld [smem:$0x3FBB];
	_ =	sdelay $0x3  }
0x37: {  	[smem:$0x3FBB] =	sst s10  }
0x38: {  	s10 =	sld [smem:$0x3FBC]  }
0x39: {  	_ = 	snop;
	(pc) =	sbr.ind lr, $3  }
0x3a: {  	_ = 	snop  }
0x3b: {  	_ = 	snop  }
0x3c: {  	p2 =	seq.s32 s10, $0x1;
	s10 =	sld [smem:$0x3FBB]  }
0x3d: {  	_ =	shalt  }
0x3e: {  	_ =	shalt  }
0x3f: {  	_ =	shalt  }
0x40: {  	_ =	shalt  }
0x41: {  	_ =	shalt  }
0x42: {  	_ =	shalt  }
0x43: {  	_ =	shalt  }
0x44: {  	_ =	shalt  }
0x45: {  	_ =	shalt  }
0x46: {  	_ =	shalt  }
0x47: {  	_ =	shalt  }
0x48: {  	_ =	shalt  }
0x49: {  	_ =	shalt  }
0x4a: {  	_ =	shalt  }
0x4b: {  	_ =	shalt  }
0x4c: {  	_ =	shalt  }
0x4d: {  	_ =	shalt  }
0x4e: {  	_ =	shalt  }
0x4f: {  	_ =	shalt  }
0x50: {  	_ =	shalt  }
0x51: {  	_ =	shalt  }
0x52: {  	_ =	shalt  }
0x53: {  	_ =	shalt  }
0x54: {  	_ =	shalt  }
0x55: {  	_ =	shalt  }
0x56: {  	_ =	shalt  }
0x57: {  	_ =	shalt  }
0x58: {  	_ =	shalt  }
0x59: {  	_ =	shalt  }
0x5a: {  	_ =	shalt  }
0x5b: {  	_ =	shalt  }
0x5c: {  	_ =	shalt  }
0x5d: {  	_ =	shalt  }
0x5e: {  	_ =	shalt  }
0x5f: {  	_ =	shalt  }
0x60: {  	_ =	shalt  }
0x61: {  	_ =	shalt  }
0x62: {  	_ =	shalt  }
0x63: {  	_ =	shalt  }
0x64: {  	_ =	shalt  }
0x65: {  	_ =	shalt  }
0x66: {  	_ =	shalt  }
0x67: {  	_ =	shalt  }
0x68: {  	_ =	shalt  }
0x69: {  	_ =	shalt  }
0x6a: {  	_ =	shalt  }
0x6b: {  	_ =	shalt  }
0x6c: {  	_ =	shalt  }
0x6d: {  	_ =	shalt  }
0x6e: {  	_ =	shalt  }
0x6f: {  	_ =	shalt  }
0x70: {  	_ =	shalt  }
0x71: {  	_ =	shalt  }
0x72: {  	_ =	shalt  }
0x73: {  	_ =	shalt  }
0x74: {  	_ =	shalt  }
0x75: {  	_ =	shalt  }
0x76: {  	_ =	shalt  }
0x77: {  	_ =	shalt  }
0x78: {  	_ =	shalt  }
0x79: {  	_ =	shalt  }
0x7a: {  	_ =	shalt  }
0x7b: {  	_ =	shalt  }
0x7c: {  	_ =	shalt  }
0x7d: {  	_ =	shalt  }
0x7e: {  	_ =	shalt  }
0x7f: {  	_ =	shalt  }
0x80: {  	_ =	shalt  }
0x81: {  	_ =	shalt  }
0x82: {  	_ =	shalt  }
0x83: {  	_ =	shalt  }
0x84: {  	_ =	shalt  }
0x85: {  	_ =	shalt  }
0x86: {  	_ =	shalt  }
0x87: {  	_ =	shalt  }
.Lfunc_end0:
.L_simem_size_0:
called_computation_lowered:
.L_overlay_start_0:
0x88: {  	s2 =	sld [smem:$0x3FD9]  }
0x89: {  	s3 =	sld [smem:$0x3FFE];
	_ =	sdelay $0x1  }
0x8a: {  	s1 =	srdreg.scid  }
0x8b: {  	s0 =	sand.u32 $0x1, s1  }
0x8c: {  	s22 =	sshll.u32 s0, $0xA;
	s2 =	sadd.s32 s3, s2  }
0x8d: {  	s2 =	sadd.s32 s2, s22  }
0x8e: {  	s4 =	simm.s32 $0x0;
	[smem:$0x3FC7] =	sst s2  }
0x8f: {  	[smem:$0xF] =	sst s4  }
0x90: {  	s2 =	sld [smem:$0x3FC9]  }
0x91: {  	s23 =	sld [smem:$0x3FD0];
	(tm) =	ssettm $0x1  }
0x92: {  	s24 =	sld [smem:$0x3FFB];
	_ =	sdelay $0x3  }
0x93: {  	_ =	strace s24  }
0x94: {  	s4 =	sld [smem:$0x3FFC];
	_ =	sdelay $0x3  }
0x95: {  	_ =	strace s4  }
0x96: {  	s4 =	sld [smem:$0x3FFD];
	_ =	sdelay $0x1  }
0x97: {  	s25 =	simm.s32 $0x1B8B  }
0x98: {  	s26 =	simm.s32 $0x1B8E;
	s7 =	simm.s32 $0x9;
	s10 =	simm.s32 $0xA  }
0x99: {  	s13 =	simm.s32 $0xB;
	s28 =	sshll.u32 s0, $0x12;
	_ =	strace s4  }
0x9a: {  	s29 =	simm.s32 $0xC;
	s8 =	sor.u32 $0x10000, s28;
	_ =	strace $0x8FFFFFFF  }
0x9b: {  	s11 =	sor.u32 $0x20000, s28;
	s5 =	sadd.s32 s28, s2;
	_ =	swait.ge [sflag:s25], $0x1  }
0x9c: {  	s6 =	sadd.s32 s28, s23;
	s9 =	sadd.s32 s8, s2;
	[sflag:s25] =	ssyncset.done $0x0  }
0x9d: {  	s8 =	sadd.s32 s8, s23;
	s12 =	sadd.s32 s11, s2;
	[sflag:s25] =	ssyncadd.s32 $0xFFFFFFFF  }
0x9e: {  	s11 =	sadd.s32 s11, s23;
	s4 =	sor.u32 $0x30000, s28;
	[smem:$0x3FD2] =	sst s26  }
0x9f: {  	s2 =	sadd.s32 s4, s2;
	s3 =	sadd.s32 s4, s23;
	_ =	strace $0x80000046  }
0xa0: {  	[hbm:s6], [sflag:s7] =	dma.local [hbm:s5], $0x10000  }
0xa1: {  	[hbm:s6], [sflag:s7] =	dma.local [hbm:s5], $0x10000  }
0xa2: {  	[hbm:s8], [sflag:s10] =	dma.local [hbm:s9], $0x10000  }
0xa3: {  	[hbm:s8], [sflag:s10] =	dma.local [hbm:s9], $0x10000  }
0xa4: {  	[hbm:s11], [sflag:s13] =	dma.local [hbm:s12], $0x10000  }
0xa5: {  	[hbm:s11], [sflag:s13] =	dma.local [hbm:s12], $0x10000  }
0xa6: {  	[hbm:s3], [sflag:s29] =	dma.local [hbm:s2], $0x10000  }
0xa7: {  	[hbm:s3], [sflag:s29] =	dma.local [hbm:s2], $0x10000  }
0xa8: {  	[hbm:s6], [sflag:s7] =	dma.local [hbm:s5], $0x10000  }
0xa9: {  	_ =	swait.ge [sflag:s7], $0x10000  }
0xaa: {  	[sflag:s7] =	ssyncset.done $0x0  }
0xab: {  	[sflag:s7] =	ssyncadd.s32 $0xFFFF0000;
	_ =	sdelay $0x1  }
0xac: {  	[hbm:s8], [sflag:s10] =	dma.local [hbm:s9], $0x10000  }
0xad: {  	_ =	swait.ge [sflag:s10], $0x10000  }
0xae: {  	[sflag:s10] =	ssyncset.done $0x0  }
0xaf: {  	[sflag:s10] =	ssyncadd.s32 $0xFFFF0000;
	_ =	sdelay $0x1  }
0xb0: {  	[hbm:s11], [sflag:s13] =	dma.local [hbm:s12], $0x10000  }
0xb1: {  	_ =	swait.ge [sflag:s13], $0x10000  }
0xb2: {  	[sflag:s13] =	ssyncset.done $0x0  }
0xb3: {  	[sflag:s13] =	ssyncadd.s32 $0xFFFF0000;
	_ =	sdelay $0x1  }
0xb4: {  	[hbm:s3], [sflag:s29] =	dma.local [hbm:s2], $0x10000  }
0xb5: {  	_ =	swait.ge [sflag:s29], $0x10000  }
0xb6: {  	[sflag:s29] =	ssyncset.done $0x0  }
0xb7: {  	[sflag:s29] =	ssyncadd.s32 $0xFFFF0000  }
0xb8: {  	_ =	strace $0x90000046  }
0xb9: {  	_ =	sfence  }
0xba: {  	s30 =	sld [smem:$0x0];
	_ =	sdelay $0x2  }
0xbb: {  	s31 =	sshll.u32 s1, $0xD;
	s1 =	sshrl.u32 s1, $0x2  }
0xbc: {  	s3 =	sand.u32 $0x4000, s31;
	s1 =	sadd.s32 s1, s30  }
0xbd: {  	s0 =	sor.u32 s3, s0;
	s1 =	sshll.u32 s1, $0x11  }
0xbe: {  	s0 =	sor.u32 s1, s0  }
0xbf: {  	s0 =	sadd.s32 $0x8F2B, s0;
	(pc) =	sbr.abs _section_cstart, $3  }
0xc0: {  	[sflag:s0] =	ssyncadd.remote.s32 $0x1  }
0xc1: {  	_ =	strace $0x9FFFFFFF  }
0xc2: {  	(tm) =	ssettm $0x7FFFFFFF  }
0xc3: {  	_ =	shalt  }

</sc_bundles>
